<compile_context>
chip_gen: v7x
topology: tpu7x:2x2x1
jax: 0.10.2.dev20260603
libtpu: 0.0.44.dev20260713+nightly
codegen_flags: <defaults>
</compile_context>

<pallas_src>
import functools

import jax
import jax.numpy as jnp
from jax import lax
from jax.experimental import pallas as pl
from jax.experimental.pallas import tpu as pltpu
from jax.experimental.pallas import tpu_sc as plsc

_N = 10000
_E = 320000
_NG = 16
_TILES = 16
_CORES = 2
_K = 125
_NP = 10240
_RPT = _NP // _TILES
_BLK = 1024
_GRID = _NP // _BLK

_F32 = jnp.float32
_HI = lax.Precision.HIGHEST


def _dot(a, b, dims=None):
    dn = (((a.ndim - 1,), (0,)), ((), ())) if dims is None else dims
    return lax.dot_general(a, b, dn, precision=_HI,
                           preferred_element_type=_F32)


def _ln(t, g, b, eps=1e-5):
    mu = jnp.mean(t, axis=-1, keepdims=True)
    var = jnp.mean((t - mu) ** 2, axis=-1, keepdims=True)
    return (t - mu) * lax.rsqrt(var + eps) * g + b



def _sc_mesh():
    return plsc.VectorSubcoreMesh(core_axis_name="c", subcore_axis_name="s")


@functools.partial(jax.jit, static_argnames=("parts", "c2p", "chunks"))
def _sc_scatter_rows(ytabs, srcp, dstg, zeros, *, parts, c2p, chunks):
    ppc = parts // _CORES
    gpt = 128 // c2p
    ntab = max(1, parts // gpt)
    nb = 4
    dd = 2
    groups = chunks // nb + 1

    @functools.partial(
        pl.kernel,
        mesh=_sc_mesh(),
        compiler_params=pltpu.CompilerParams(use_tc_tiling_on_sc=False),
        out_type=[jax.ShapeDtypeStruct((_NP, 128), _F32)] * ntab,
        scratch_types=[
            pltpu.VMEM((chunks, _K), jnp.int32),
            pltpu.VMEM((chunks, _K), jnp.int32),
        ]
        + [pltpu.VMEM((_K, c2p), _F32) for _ in range(nb)]
        + [pltpu.SemaphoreType.DMA for _ in range(2 * nb)]
        + [pltpu.VMEM_SHARED((_NP, c2p), _F32)],
    )
    def k(*refs):
        tabs = refs[:ntab]
        srcp0_hbm, srcp1_hbm, dst_hbm, z_hbm = refs[ntab:ntab + 4]
        outs = refs[ntab + 4:2 * ntab + 4]
        rest = refs[2 * ntab + 4:]
        src_v, dst_v = rest[0], rest[1]
        gbufs = rest[2:2 + nb]
        gsems = rest[2 + nb:2 + 2 * nb]
        ssems = rest[2 + 2 * nb:2 + 3 * nb]
        acc_sh = rest[2 + 3 * nb]
        c = lax.axis_index("c")
        s = lax.axis_index("s")
        pltpu.sync_copy(dst_hbm.at[s], dst_v)
        r0 = s * _RPT

        def gather_wait(b):
            pltpu.make_async_copy(tabs[0].at[src_v.at[0]], gbufs[b],
                                  gsems[b]).wait()

        def scatter_start(j, b):
            pltpu.async_copy(gbufs[b], acc_sh.at[dst_v.at[j]], ssems[b],
                             add=True)

        def scatter_wait(b):
            pltpu.make_async_copy(gbufs[b], acc_sh.at[dst_v.at[0]],
                                  ssems[b]).wait()

        srcps = (srcp0_hbm, srcp1_hbm)
        for p in range(ppc):
            par = [(cc * ppc + p) % gpt for cc in range(_CORES)]
            tix = [(cc * ppc + p) // gpt for cc in range(_CORES)]

            if par[0] == par[1]:
                pltpu.sync_copy(srcps[par[0]].at[s], src_v)
            else:
                pl.when(c == 0)(
                    lambda: pltpu.sync_copy(srcps[par[0]].at[s], src_v))
                pl.when(c == 1)(
                    lambda: pltpu.sync_copy(srcps[par[1]].at[s], src_v))

            def gather_start(j, b, tix=tix):
                if tix[0] == tix[1]:
                    pltpu.async_copy(tabs[tix[0]].at[src_v.at[j]], gbufs[b],
                                     gsems[b])
                else:
                    def g0():
                        pltpu.async_copy(tabs[tix[0]].at[src_v.at[j]],
                                         gbufs[b], gsems[b])

                    def g1():
                        pltpu.async_copy(tabs[tix[1]].at[src_v.at[j]],
                                         gbufs[b], gsems[b])

                    pl.when(c == 0)(g0)
                    pl.when(c == 1)(g1)

            pltpu.sync_copy(z_hbm.at[pl.ds(r0, _RPT)],
                            acc_sh.at[pl.ds(r0, _RPT)])
            plsc.subcore_barrier()

            def body(g, carry):
                for b in range(nb):
                    j = g * nb + b
                    pl.when(g >= 1)(lambda b=b: scatter_wait(b))
                    pl.when(g < groups - 1)(lambda j=j, b=b: gather_start(j, b))
                    b2 = (b - dd) % nb
                    jd = j - dd

                    def drain(jd=jd, b2=b2):
                        gather_wait(b2)
                        scatter_start(jd, b2)

                    if b < dd:
                        pl.when(g >= 1)(drain)
                    else:
                        pl.when(g < groups - 1)(drain)
                return carry

            lax.fori_loop(0, groups, body, 0)
            plsc.subcore_barrier()

            def write_for(part):
                out = outs[part // gpt]
                coff = (part % gpt) * c2p

                def go():
                    pltpu.sync_copy(
                        acc_sh.at[pl.ds(r0, _RPT)],
                        out.at[pl.ds(r0, _RPT), pl.ds(coff, c2p)])
                return go

            pl.when(c == 0)(write_for(0 * ppc + p))
            pl.when(c == 1)(write_for(1 * ppc + p))
            plsc.subcore_barrier()

    return k(*ytabs, srcp[0], srcp[1], dstg, zeros)


@jax.jit
def _sc_degree(dstd, ones8, zeros8):
    chunks = dstd.shape[2]

    @functools.partial(
        pl.kernel,
        mesh=_sc_mesh(),
        compiler_params=pltpu.CompilerParams(use_tc_tiling_on_sc=False),
        out_type=jax.ShapeDtypeStruct((_NP, 128), _F32),
        scratch_types=[
            pltpu.VMEM((chunks, _K), jnp.int32),
            pltpu.VMEM((_K, 8), _F32),
            pltpu.VMEM_SHARED((_NP, 8), _F32),
            pltpu.SemaphoreType.DMA,
        ],
    )
    def k(dst_hbm, ones_hbm, z_hbm, out_hbm, dst_v, obuf, acc_sh, sem):
        c = lax.axis_index("c")
        s = lax.axis_index("s")
        pltpu.sync_copy(dst_hbm.at[c, s], dst_v)
        pltpu.sync_copy(ones_hbm, obuf)
        r0 = s * _RPT
        pltpu.sync_copy(z_hbm.at[pl.ds(r0, _RPT)], acc_sh.at[pl.ds(r0, _RPT)])
        plsc.subcore_barrier()

        def body(g, carry):
            for b in range(4):
                pltpu.async_copy(obuf, acc_sh.at[dst_v.at[g * 4 + b]], sem,
                                 add=True)
            for b in range(4):
                pltpu.make_async_copy(obuf, acc_sh.at[dst_v.at[0]],
                                      sem).wait()
            return carry

        lax.fori_loop(0, chunks // 4, body, 0)
        plsc.subcore_barrier()

        def w0():
            pltpu.sync_copy(acc_sh.at[pl.ds(r0, _RPT)],
                            out_hbm.at[pl.ds(r0, _RPT), pl.ds(0, 8)])

        def w1():
            pltpu.sync_copy(acc_sh.at[pl.ds(r0, _RPT)],
                            out_hbm.at[pl.ds(r0, _RPT), pl.ds(8, 8)])

        pl.when(c == 0)(w0)
        pl.when(c == 1)(w1)

    return k(dstd, ones8, zeros8)



def _row_spec():
    return pl.BlockSpec((_BLK, 128), lambda i: (i, 0))


def _full(shape):
    nd = len(shape)
    return pl.BlockSpec(shape, lambda i, _nd=nd: (0,) * _nd)


def _k1_body(x_ref, win_ref, bin_ref, g_ref, b_ref, w1_ref, deg_ref,
             y_ref, dv_ref):
    dinv = lax.rsqrt(deg_ref[:, 0:1] + deg_ref[:, 8:9] + 1.0)
    dv_ref[...] = jnp.broadcast_to(dinv, (_BLK, 128))
    h = jax.nn.relu(_ln(_dot(x_ref[...], win_ref[...]) + bin_ref[...],
                        g_ref[...], b_ref[...]))
    y = _dot(h, w1_ref[...]) * dinv
    y_ref[...] = jnp.concatenate([y, jnp.zeros_like(y)], axis=1)


def _mid2_body(s_ref, y_ref, bias_ref, g_ref, b_ref, w_ref, dv_ref, *yout,
               cin=64):
    dinv = dv_ref[:, 0:1]
    t = (s_ref[:, :cin] + y_ref[:, :cin]) * dinv + bias_ref[...]
    h = jax.nn.relu(_ln(t, g_ref[...], b_ref[...]))
    y = _dot(h, w_ref[...]) * dinv
    for q, r in enumerate(yout):
        r[...] = y[:, q * 128:(q + 1) * 128]


def _fin_body(sa_ref, sb_ref, ya_ref, yb_ref, bias_ref, g_ref, b_ref, dv_ref,
              bat_ref, wo_ref, bo_ref, o_ref, sums_ref, cnt_ref):
    i = pl.program_id(0)

    @pl.when(i == 0)
    def _():
        sums_ref[...] = jnp.zeros_like(sums_ref)
        cnt_ref[...] = jnp.zeros_like(cnt_ref)

    dinv = dv_ref[:, 0:1]
    t = jnp.concatenate([sa_ref[...] + ya_ref[...],
                         sb_ref[...] + yb_ref[...]], axis=1)
    t = t * dinv + bias_ref[...]
    h = jax.nn.relu(_ln(t, g_ref[...], b_ref[...]))
    iota = lax.broadcasted_iota(jnp.int32, (_BLK, _NG), 1).astype(_F32)
    oht = (bat_ref[:, 0:1] == iota).astype(_F32)
    sums_ref[...] += _dot(oht, h, dims=(((0,), (0,)), ((), ())))
    cnt_ref[...] += jnp.sum(oht, axis=0, keepdims=True)

    @pl.when(i == _GRID - 1)
    def _():
        recip = 1.0 / jnp.maximum(cnt_ref[...], 1.0)
        eye = (lax.broadcasted_iota(jnp.int32, (_NG, _NG), 0)
               == lax.broadcasted_iota(jnp.int32, (_NG, _NG), 1)).astype(_F32)
        pooled = _dot(eye * recip, sums_ref[...])
        o_ref[...] = _dot(pooled, wo_ref[...]) + bo_ref[...]


def _tc_stage1(x, W_in, b_in, g, b, W1, deg):
    return pl.pallas_call(
        _k1_body,
        grid=(_GRID,),
        in_specs=[_row_spec(), _full((128, 32)), _full((32,)), _full((32,)),
                  _full((32,)), _full((32, 64)), _row_spec()],
        out_specs=[_row_spec()] * 2,
        out_shape=[jax.ShapeDtypeStruct((_NP, 128), _F32)] * 2,
    )(x, W_in, b_in, g, b, W1, deg)


def _tc_mid(S, y, bias, g, b, W, dinv, cin, cout):
    body = functools.partial(_mid2_body, cin=cin)
    nout = cout // 128
    return pl.pallas_call(
        body,
        grid=(_GRID,),
        in_specs=[_row_spec(), _row_spec(), _full((cin,)), _full((cin,)),
                  _full((cin,)), _full((cin, cout)), _row_spec()],
        out_specs=[_row_spec()] * nout,
        out_shape=[jax.ShapeDtypeStruct((_NP, 128), _F32)] * nout,
    )(S, y, bias, g, b, W, dinv)


def _tc_final(Sa, Sb, ya, yb, bias, g, b, dinv, batch_f, Wo, bo):
    return pl.pallas_call(
        _fin_body,
        grid=(_GRID,),
        in_specs=[_row_spec(), _row_spec(), _row_spec(), _row_spec(),
                  _full((256,)), _full((256,)), _full((256,)), _row_spec(),
                  _row_spec(), _full((256, 64)), _full((64,))],
        out_specs=pl.BlockSpec((_NG, 64), lambda i: (0, 0)),
        out_shape=jax.ShapeDtypeStruct((_NG, 64), _F32),
        scratch_shapes=[pltpu.VMEM((_NG, 256), _F32),
                        pltpu.VMEM((1, _NG), _F32)],
    )(Sa, Sb, ya, yb, bias, g, b, dinv, batch_f, Wo, bo)



def kernel(x, edge_index, batch, W_in, b_in, ln_in_g, ln_in_b, W1, b1, n1_g,
           n1_b, W2, b2, n2_g, n2_b, W3, b3, n3_g, n3_b, Wo, bo):
    src = edge_index[0].astype(jnp.int32)
    dst = edge_index[1].astype(jnp.int32)

    conv_chunks = _E // (_TILES * _K)
    deg_chunks = _E // (_CORES * _TILES * _K)

    def idx(mult, q):
        return (mult * src + q).reshape(_TILES, conv_chunks, _K)

    src2 = (idx(2, 0), idx(2, 1))
    src4 = (idx(4, 0), idx(4, 1))
    dstg = dst.reshape(_TILES, conv_chunks, _K)
    dstd = dst.reshape(_CORES, _TILES, deg_chunks, _K)

    z8 = jnp.zeros((_NP, 8), _F32)
    ones8 = jnp.ones((_K, 8), _F32)
    zeros = {c2: jnp.zeros((_NP, c2), _F32) for c2 in (32, 64)}
    x_p = jnp.pad(x, ((0, _NP - _N), (0, 0)))
    batch_f = jnp.pad(batch.astype(_F32), (0, _NP - _N),
                      constant_values=-1.0).reshape(_NP, 1)
    batch_w = jnp.broadcast_to(batch_f, (_NP, 128))

    deg = _sc_degree(dstd, ones8, z8)

    y1, dinv = _tc_stage1(x_p, W_in, b_in, ln_in_g, ln_in_b, W1, deg)
    (S1,) = _sc_scatter_rows((y1.reshape(4 * _NP, 32),), src4, dstg,
                             zeros[32], parts=2, c2p=32, chunks=conv_chunks)

    (y2,) = _tc_mid(S1, y1, b1, n1_g, n1_b, W2, dinv, 64, 128)
    (S2,) = _sc_scatter_rows((y2.reshape(2 * _NP, 64),), src2, dstg,
                             zeros[64], parts=2, c2p=64, chunks=conv_chunks)

    y3a, y3b = _tc_mid(S2, y2, b2, n2_g, n2_b, W3, dinv, 128, 256)
    S3a, S3b = _sc_scatter_rows(
        (y3a.reshape(2 * _NP, 64), y3b.reshape(2 * _NP, 64)), src2, dstg,
        zeros[64], parts=4, c2p=64, chunks=conv_chunks)

    return _tc_final(S3a, S3b, y3a, y3b, b3, n3_g, n3_b, dinv, batch_w,
                     Wo, bo)

# --- scband reference (transcript-rebuilt; emitter-appended) ---
"""Pipeline reference for scband-minamo-similarity-topo-38079180047101 (READ-ONLY COPY).

The authoritative reference and input builder live on the scoring server;
editing this copy changes nothing except your own understanding.
"""

import jax, jax.numpy as jnp
import numpy as np

N = 10000
E = 320000
IN_CH = 128
HID = 32
OUT_CH = 64
NUM_GRAPHS = 16


def layer_norm(x, g, b, eps=1e-5):
    mu = jnp.mean(x, axis=-1, keepdims=True)
    var = jnp.mean((x - mu) ** 2, axis=-1, keepdims=True)
    return (x - mu) * jax.lax.rsqrt(var + eps) * g + b


def gcn_conv(x, edge_index, W, bias, num_nodes):
    # PyG GCNConv: add self-loops, symmetric normalization, linear transform, scatter-add
    x = x @ W
    loop = jnp.arange(num_nodes, dtype=edge_index.dtype)
    src = jnp.concatenate([edge_index[0], loop])
    dst = jnp.concatenate([edge_index[1], loop])
    deg = jnp.zeros((num_nodes,), dtype=x.dtype).at[dst].add(1.0)
    dinv = jax.lax.rsqrt(deg)
    norm = dinv[src] * dinv[dst]
    msg = x[src] * norm[:, None]
    out = jnp.zeros((num_nodes, x.shape[1]), dtype=x.dtype).at[dst].add(msg)
    return out + bias


def global_mean_pool(x, batch, num_graphs):
    sums = jnp.zeros((num_graphs, x.shape[1]), dtype=x.dtype).at[batch].add(x)
    counts = jnp.zeros((num_graphs,), dtype=x.dtype).at[batch].add(1.0)
    return sums / jnp.maximum(counts, 1.0)[:, None]


def setup_inputs(seed: int = 0):
    key = jax.random.key(seed)
    ks = jax.random.split(key, 20)

    def glorot(k, shape):
        lim = float(np.sqrt(6.0 / (shape[0] + shape[1])))
        return jax.random.uniform(k, shape, jnp.float32, -lim, lim)

    inp = {}
    inp['x'] = jax.random.normal(ks[0], (N, IN_CH), jnp.float32)
    inp['edge_index'] = jax.random.randint(ks[1], (2, E), 0, N, jnp.int32)
    inp['batch'] = jnp.sort(jax.random.randint(ks[2], (N,), 0, NUM_GRAPHS, jnp.int32))
    # input_fc: Linear(in_ch, hid) + LayerNorm(hid)
    inp['W_in'] = glorot(ks[3], (IN_CH, HID))
    inp['b_in'] = jnp.zeros((HID,), jnp.float32)
    inp['ln_in_g'] = jnp.ones((HID,), jnp.float32)
    inp['ln_in_b'] = jnp.zeros((HID,), jnp.float32)
    # conv1: GCNConv(hid, hid*2) + LayerNorm(hid*2)
    inp['W1'] = glorot(ks[4], (HID, HID * 2))
    inp['b1'] = jnp.zeros((HID * 2,), jnp.float32)
    inp['n1_g'] = jnp.ones((HID * 2,), jnp.float32)
    inp['n1_b'] = jnp.zeros((HID * 2,), jnp.float32)
    # conv2: GCNConv(hid*2, hid*4) + LayerNorm(hid*4)
    inp['W2'] = glorot(ks[5], (HID * 2, HID * 4))
    inp['b2'] = jnp.zeros((HID * 4,), jnp.float32)
    inp['n2_g'] = jnp.ones((HID * 4,), jnp.float32)
    inp['n2_b'] = jnp.zeros((HID * 4,), jnp.float32)
    # conv3: GCNConv(hid*4, hid*8) + LayerNorm(hid*8)
    inp['W3'] = glorot(ks[6], (HID * 4, HID * 8))
    inp['b3'] = jnp.zeros((HID * 8,), jnp.float32)
    inp['n3_g'] = jnp.ones((HID * 8,), jnp.float32)
    inp['n3_b'] = jnp.zeros((HID * 8,), jnp.float32)
    # output_fc: Linear(hid*8, out_ch)
    inp['Wo'] = glorot(ks[7], (HID * 8, OUT_CH))
    inp['bo'] = jnp.zeros((OUT_CH,), jnp.float32)
    return inp


def reference(x, edge_index, batch, W_in, b_in, ln_in_g, ln_in_b, W1, b1, n1_g, n1_b, W2, b2, n2_g, n2_b, W3, b3, n3_g, n3_b, Wo, bo):
    h = jax.nn.relu(layer_norm(x @ W_in + b_in, ln_in_g, ln_in_b))
    h = gcn_conv(h, edge_index, W1, b1, N)
    h = jax.nn.relu(layer_norm(h, n1_g, n1_b))
    h = gcn_conv(h, edge_index, W2, b2, N)
    h = jax.nn.relu(layer_norm(h, n2_g, n2_b))
    h = gcn_conv(h, edge_index, W3, b3, N)
    h = jax.nn.relu(layer_norm(h, n3_g, n3_b))
    pooled = global_mean_pool(h, batch, NUM_GRAPHS)
    return pooled @ Wo + bo

if __name__ == "__main__":
    import jax
    _d = setup_inputs()
    print(jax.jit(kernel)(*tuple(_d.values())))

</pallas_src>

<mosaic_0001>
#map = affine_map<(d0, d1) -> (0, 0, 0, 0)>
#map1 = affine_map<(d0, d1) -> (0, 0)>
module attributes {stable_mosaic.version = 14 : i64} {
  func.func @k(%arg0: i32, %arg1: i32, %arg2: memref<2x16x80x125xi32, #tpu.memory_space<hbm>>, %arg3: memref<125x8xf32, #tpu.memory_space<hbm>>, %arg4: memref<10240x8xf32, #tpu.memory_space<hbm>>, %arg5: memref<10240x128xf32, #tpu.memory_space<hbm>>, %arg6: memref<80x125xi32, #tpu.memory_space<vmem>>, %arg7: memref<125x8xf32, #tpu.memory_space<vmem>>, %arg8: memref<10240x8xf32, #tpu.memory_space<vmem_shared>>, %arg9: memref<!tpu.dma_semaphore, #tpu.memory_space<semaphore_mem>>) attributes {dimension_semantics = [#tpu.dimension_semantics<core_parallel>, #tpu.dimension_semantics<subcore_parallel>], iteration_bounds = array<i64: 2, 16>, scalar_prefetch = 0 : i64, scratch_operands = 4 : i64, tpu.core_type = #tpu.core_type<sc_vector_subcore>, window_params = [{transform_indices = #map}, {transform_indices = #map1}, {transform_indices = #map1}, {transform_indices = #map1}]} {
    "tpu.region"() ({
      %run_scoped3A = tpu.sem_alloc : memref<!tpu.dma_semaphore, #tpu.memory_space<semaphore_mem>>
      %dma_start3A = arith.constant 0 : i32
      %dma_start3A_14 = arith.constant 0 : i32
      %dma_start3A_15 = tpu.memref_slice %arg2[%arg0, %arg1, %dma_start3A, %dma_start3A_14] : memref<2x16x80x125xi32, #tpu.memory_space<hbm>> -> memref<1x1x80x125xi32, #tpu.memory_space<hbm>>
      %dma_start3A_16 = tpu.memref_squeeze %dma_start3A_15 : memref<1x1x80x125xi32, #tpu.memory_space<hbm>> -> memref<80x125xi32, #tpu.memory_space<hbm>>
      %dma_start3A_17 = arith.constant 0 : i32
      %dma_start3A_18 = arith.constant 0 : i32
      %dma_start3A_19 = tpu.memref_slice %arg2[%arg0, %arg1, %dma_start3A_17, %dma_start3A_18] : memref<2x16x80x125xi32, #tpu.memory_space<hbm>> -> memref<1x1x80x125xi32, #tpu.memory_space<hbm>>
      %dma_start3A_20 = tpu.memref_squeeze %dma_start3A_19 : memref<1x1x80x125xi32, #tpu.memory_space<hbm>> -> memref<80x125xi32, #tpu.memory_space<hbm>>
      tpu.enqueue_dma source(%dma_start3A_20 : memref<80x125xi32, #tpu.memory_space<hbm>>) target(%arg6 : memref<80x125xi32, #tpu.memory_space<vmem>>) target_semaphore(%run_scoped3A : memref<!tpu.dma_semaphore, #tpu.memory_space<semaphore_mem>>)
      %dma_wait3A = arith.constant 0 : i32
      %dma_wait3A_21 = arith.constant 0 : i32
      %dma_wait3A_22 = tpu.memref_slice %arg2[%arg0, %arg1, %dma_wait3A, %dma_wait3A_21] : memref<2x16x80x125xi32, #tpu.memory_space<hbm>> -> memref<1x1x80x125xi32, #tpu.memory_space<hbm>>
      %dma_wait3A_23 = tpu.memref_squeeze %dma_wait3A_22 : memref<1x1x80x125xi32, #tpu.memory_space<hbm>> -> memref<80x125xi32, #tpu.memory_space<hbm>>
      %dma_wait3A_24 = arith.constant 0 : i32
      %dma_wait3A_25 = arith.constant 0 : i32
      %dma_wait3A_26 = tpu.memref_slice %arg2[%arg0, %arg1, %dma_wait3A_24, %dma_wait3A_25] : memref<2x16x80x125xi32, #tpu.memory_space<hbm>> -> memref<1x1x80x125xi32, #tpu.memory_space<hbm>>
      %dma_wait3A_27 = tpu.memref_squeeze %dma_wait3A_26 : memref<1x1x80x125xi32, #tpu.memory_space<hbm>> -> memref<80x125xi32, #tpu.memory_space<hbm>>
      tpu.wait_dma2 semaphore(%run_scoped3A : memref<!tpu.dma_semaphore, #tpu.memory_space<semaphore_mem>>) src(%dma_wait3A_27 : memref<80x125xi32, #tpu.memory_space<hbm>>) dst(%arg6 : memref<80x125xi32, #tpu.memory_space<vmem>>)
      tpu.yield
    }) : () -> ()
    "tpu.region"() ({
      %run_scoped3A = tpu.sem_alloc : memref<!tpu.dma_semaphore, #tpu.memory_space<semaphore_mem>>
      tpu.enqueue_dma source(%arg3 : memref<125x8xf32, #tpu.memory_space<hbm>>) target(%arg7 : memref<125x8xf32, #tpu.memory_space<vmem>>) target_semaphore(%run_scoped3A : memref<!tpu.dma_semaphore, #tpu.memory_space<semaphore_mem>>)
      tpu.wait_dma2 semaphore(%run_scoped3A : memref<!tpu.dma_semaphore, #tpu.memory_space<semaphore_mem>>) src(%arg3 : memref<125x8xf32, #tpu.memory_space<hbm>>) dst(%arg7 : memref<125x8xf32, #tpu.memory_space<vmem>>)
      tpu.yield
    }) : () -> ()
    %mul3A = arith.constant 640 : i32
    %mul3A_0 = arith.muli %arg1, %mul3A : i32
    "tpu.region"() ({
      %run_scoped3A = tpu.sem_alloc : memref<!tpu.dma_semaphore, #tpu.memory_space<semaphore_mem>>
      %dma_start3A = arith.constant 0 : i32
      %dma_start3A_14 = tpu.memref_slice %arg8[%mul3A_0, %dma_start3A] : memref<10240x8xf32, #tpu.memory_space<vmem_shared>> -> memref<640x8xf32, #tpu.memory_space<vmem_shared>>
      %dma_start3A_15 = arith.constant 0 : i32
      %dma_start3A_16 = tpu.memref_slice %arg4[%mul3A_0, %dma_start3A_15] : memref<10240x8xf32, #tpu.memory_space<hbm>> -> memref<640x8xf32, #tpu.memory_space<hbm>>
      tpu.enqueue_dma source(%dma_start3A_16 : memref<640x8xf32, #tpu.memory_space<hbm>>) target(%dma_start3A_14 : memref<640x8xf32, #tpu.memory_space<vmem_shared>>) target_semaphore(%run_scoped3A : memref<!tpu.dma_semaphore, #tpu.memory_space<semaphore_mem>>)
      %dma_wait3A = arith.constant 0 : i32
      %dma_wait3A_17 = tpu.memref_slice %arg8[%mul3A_0, %dma_wait3A] : memref<10240x8xf32, #tpu.memory_space<vmem_shared>> -> memref<640x8xf32, #tpu.memory_space<vmem_shared>>
      %dma_wait3A_18 = arith.constant 0 : i32
      %dma_wait3A_19 = tpu.memref_slice %arg4[%mul3A_0, %dma_wait3A_18] : memref<10240x8xf32, #tpu.memory_space<hbm>> -> memref<640x8xf32, #tpu.memory_space<hbm>>
      tpu.wait_dma2 semaphore(%run_scoped3A : memref<!tpu.dma_semaphore, #tpu.memory_space<semaphore_mem>>) src(%dma_wait3A_19 : memref<640x8xf32, #tpu.memory_space<hbm>>) dst(%dma_wait3A_17 : memref<640x8xf32, #tpu.memory_space<vmem_shared>>)
      tpu.yield
    }) : () -> ()
    %barrier3A = arith.constant 0 : index
    tpu.barrier barrier_id(%barrier3A)
    %scan3A = arith.constant 0 : i32
    %scan3A_1 = arith.constant 0 : i32
    %scan3A_2 = arith.constant 20 : i32
    %scan3A_3 = arith.addi %scan3A_1, %scan3A_2 : i32
    %scan3A_4 = arith.constant 1 : i32
    scf.for %scan3A_14 = %scan3A_1 to %scan3A_3 step %scan3A_4  : i32 {
      %mul3A_15 = arith.constant 4 : i32
      %mul3A_16 = arith.muli %scan3A_14, %mul3A_15 : i32
      %add3A = arith.constant 0 : i32
      %add3A_17 = arith.addi %mul3A_16, %add3A : i32
      %dma_start3A = arith.constant 0 : i32
      %dma_start3A_18 = tpu.memref_slice %arg6[%add3A_17, %dma_start3A] : memref<80x125xi32, #tpu.memory_space<vmem>> -> memref<1x125xi32, #tpu.memory_space<vmem>>
      %dma_start3A_19 = tpu.memref_squeeze %dma_start3A_18 : memref<1x125xi32, #tpu.memory_space<vmem>> -> memref<125xi32, #tpu.memory_space<vmem>>
      %dma_start3A_20 = arith.constant 0 : i32
      %dma_start3A_21 = arith.constant 0 : i32
      %dma_start3A_22 = tpu.memref_slice %arg8[%dma_start3A_20, %dma_start3A_21] : memref<10240x8xf32, #tpu.memory_space<vmem_shared>> -> memref<10240x8xf32, #tpu.memory_space<vmem_shared>>
      tpu.enqueue_indirect_dma source(%arg7 : memref<125x8xf32, #tpu.memory_space<vmem>>) target(%dma_start3A_22 : memref<10240x8xf32, #tpu.memory_space<vmem_shared>>) offsets(%dma_start3A_19 : memref<125xi32, #tpu.memory_space<vmem>>) semaphore(%arg9 : memref<!tpu.dma_semaphore, #tpu.memory_space<semaphore_mem>>) {add = true}
      %mul3A_23 = arith.constant 4 : i32
      %mul3A_24 = arith.muli %scan3A_14, %mul3A_23 : i32
      %add3A_25 = arith.constant 1 : i32
      %add3A_26 = arith.addi %mul3A_24, %add3A_25 : i32
      %dma_start3A_27 = arith.constant 0 : i32
      %dma_start3A_28 = tpu.memref_slice %arg6[%add3A_26, %dma_start3A_27] : memref<80x125xi32, #tpu.memory_space<vmem>> -> memref<1x125xi32, #tpu.memory_space<vmem>>
      %dma_start3A_29 = tpu.memref_squeeze %dma_start3A_28 : memref<1x125xi32, #tpu.memory_space<vmem>> -> memref<125xi32, #tpu.memory_space<vmem>>
      %dma_start3A_30 = arith.constant 0 : i32
      %dma_start3A_31 = arith.constant 0 : i32
      %dma_start3A_32 = tpu.memref_slice %arg8[%dma_start3A_30, %dma_start3A_31] : memref<10240x8xf32, #tpu.memory_space<vmem_shared>> -> memref<10240x8xf32, #tpu.memory_space<vmem_shared>>
      tpu.enqueue_indirect_dma source(%arg7 : memref<125x8xf32, #tpu.memory_space<vmem>>) target(%dma_start3A_32 : memref<10240x8xf32, #tpu.memory_space<vmem_shared>>) offsets(%dma_start3A_29 : memref<125xi32, #tpu.memory_space<vmem>>) semaphore(%arg9 : memref<!tpu.dma_semaphore, #tpu.memory_space<semaphore_mem>>) {add = true}
      %mul3A_33 = arith.constant 4 : i32
      %mul3A_34 = arith.muli %scan3A_14, %mul3A_33 : i32
      %add3A_35 = arith.constant 2 : i32
      %add3A_36 = arith.addi %mul3A_34, %add3A_35 : i32
      %dma_start3A_37 = arith.constant 0 : i32
      %dma_start3A_38 = tpu.memref_slice %arg6[%add3A_36, %dma_start3A_37] : memref<80x125xi32, #tpu.memory_space<vmem>> -> memref<1x125xi32, #tpu.memory_space<vmem>>
      %dma_start3A_39 = tpu.memref_squeeze %dma_start3A_38 : memref<1x125xi32, #tpu.memory_space<vmem>> -> memref<125xi32, #tpu.memory_space<vmem>>
      %dma_start3A_40 = arith.constant 0 : i32
      %dma_start3A_41 = arith.constant 0 : i32
      %dma_start3A_42 = tpu.memref_slice %arg8[%dma_start3A_40, %dma_start3A_41] : memref<10240x8xf32, #tpu.memory_space<vmem_shared>> -> memref<10240x8xf32, #tpu.memory_space<vmem_shared>>
      tpu.enqueue_indirect_dma source(%arg7 : memref<125x8xf32, #tpu.memory_space<vmem>>) target(%dma_start3A_42 : memref<10240x8xf32, #tpu.memory_space<vmem_shared>>) offsets(%dma_start3A_39 : memref<125xi32, #tpu.memory_space<vmem>>) semaphore(%arg9 : memref<!tpu.dma_semaphore, #tpu.memory_space<semaphore_mem>>) {add = true}
      %mul3A_43 = arith.constant 4 : i32
      %mul3A_44 = arith.muli %scan3A_14, %mul3A_43 : i32
      %add3A_45 = arith.constant 3 : i32
      %add3A_46 = arith.addi %mul3A_44, %add3A_45 : i32
      %dma_start3A_47 = arith.constant 0 : i32
      %dma_start3A_48 = tpu.memref_slice %arg6[%add3A_46, %dma_start3A_47] : memref<80x125xi32, #tpu.memory_space<vmem>> -> memref<1x125xi32, #tpu.memory_space<vmem>>
      %dma_start3A_49 = tpu.memref_squeeze %dma_start3A_48 : memref<1x125xi32, #tpu.memory_space<vmem>> -> memref<125xi32, #tpu.memory_space<vmem>>
      %dma_start3A_50 = arith.constant 0 : i32
      %dma_start3A_51 = arith.constant 0 : i32
      %dma_start3A_52 = tpu.memref_slice %arg8[%dma_start3A_50, %dma_start3A_51] : memref<10240x8xf32, #tpu.memory_space<vmem_shared>> -> memref<10240x8xf32, #tpu.memory_space<vmem_shared>>
      tpu.enqueue_indirect_dma source(%arg7 : memref<125x8xf32, #tpu.memory_space<vmem>>) target(%dma_start3A_52 : memref<10240x8xf32, #tpu.memory_space<vmem_shared>>) offsets(%dma_start3A_49 : memref<125xi32, #tpu.memory_space<vmem>>) semaphore(%arg9 : memref<!tpu.dma_semaphore, #tpu.memory_space<semaphore_mem>>) {add = true}
      %dma_wait3A = arith.constant 0 : i32
      %dma_wait3A_53 = arith.constant 0 : i32
      %dma_wait3A_54 = tpu.memref_slice %arg6[%dma_wait3A, %dma_wait3A_53] : memref<80x125xi32, #tpu.memory_space<vmem>> -> memref<1x125xi32, #tpu.memory_space<vmem>>
      %dma_wait3A_55 = tpu.memref_squeeze %dma_wait3A_54 : memref<1x125xi32, #tpu.memory_space<vmem>> -> memref<125xi32, #tpu.memory_space<vmem>>
      %dma_wait3A_56 = arith.constant 0 : i32
      %dma_wait3A_57 = arith.constant 0 : i32
      %dma_wait3A_58 = tpu.memref_slice %arg8[%dma_wait3A_56, %dma_wait3A_57] : memref<10240x8xf32, #tpu.memory_space<vmem_shared>> -> memref<10240x8xf32, #tpu.memory_space<vmem_shared>>
      tpu.wait_indirect_dma semaphore(%arg9 : memref<!tpu.dma_semaphore, #tpu.memory_space<semaphore_mem>>) src(%arg7 : memref<125x8xf32, #tpu.memory_space<vmem>>) dst(%dma_wait3A_58 : memref<10240x8xf32, #tpu.memory_space<vmem_shared>>)
      %dma_wait3A_59 = arith.constant 0 : i32
      %dma_wait3A_60 = arith.constant 0 : i32
      %dma_wait3A_61 = tpu.memref_slice %arg6[%dma_wait3A_59, %dma_wait3A_60] : memref<80x125xi32, #tpu.memory_space<vmem>> -> memref<1x125xi32, #tpu.memory_space<vmem>>
      %dma_wait3A_62 = tpu.memref_squeeze %dma_wait3A_61 : memref<1x125xi32, #tpu.memory_space<vmem>> -> memref<125xi32, #tpu.memory_space<vmem>>
      %dma_wait3A_63 = arith.constant 0 : i32
      %dma_wait3A_64 = arith.constant 0 : i32
      %dma_wait3A_65 = tpu.memref_slice %arg8[%dma_wait3A_63, %dma_wait3A_64] : memref<10240x8xf32, #tpu.memory_space<vmem_shared>> -> memref<10240x8xf32, #tpu.memory_space<vmem_shared>>
      tpu.wait_indirect_dma semaphore(%arg9 : memref<!tpu.dma_semaphore, #tpu.memory_space<semaphore_mem>>) src(%arg7 : memref<125x8xf32, #tpu.memory_space<vmem>>) dst(%dma_wait3A_65 : memref<10240x8xf32, #tpu.memory_space<vmem_shared>>)
      %dma_wait3A_66 = arith.constant 0 : i32
      %dma_wait3A_67 = arith.constant 0 : i32
      %dma_wait3A_68 = tpu.memref_slice %arg6[%dma_wait3A_66, %dma_wait3A_67] : memref<80x125xi32, #tpu.memory_space<vmem>> -> memref<1x125xi32, #tpu.memory_space<vmem>>
      %dma_wait3A_69 = tpu.memref_squeeze %dma_wait3A_68 : memref<1x125xi32, #tpu.memory_space<vmem>> -> memref<125xi32, #tpu.memory_space<vmem>>
      %dma_wait3A_70 = arith.constant 0 : i32
      %dma_wait3A_71 = arith.constant 0 : i32
      %dma_wait3A_72 = tpu.memref_slice %arg8[%dma_wait3A_70, %dma_wait3A_71] : memref<10240x8xf32, #tpu.memory_space<vmem_shared>> -> memref<10240x8xf32, #tpu.memory_space<vmem_shared>>
      tpu.wait_indirect_dma semaphore(%arg9 : memref<!tpu.dma_semaphore, #tpu.memory_space<semaphore_mem>>) src(%arg7 : memref<125x8xf32, #tpu.memory_space<vmem>>) dst(%dma_wait3A_72 : memref<10240x8xf32, #tpu.memory_space<vmem_shared>>)
      %dma_wait3A_73 = arith.constant 0 : i32
      %dma_wait3A_74 = arith.constant 0 : i32
      %dma_wait3A_75 = tpu.memref_slice %arg6[%dma_wait3A_73, %dma_wait3A_74] : memref<80x125xi32, #tpu.memory_space<vmem>> -> memref<1x125xi32, #tpu.memory_space<vmem>>
      %dma_wait3A_76 = tpu.memref_squeeze %dma_wait3A_75 : memref<1x125xi32, #tpu.memory_space<vmem>> -> memref<125xi32, #tpu.memory_space<vmem>>
      %dma_wait3A_77 = arith.constant 0 : i32
      %dma_wait3A_78 = arith.constant 0 : i32
      %dma_wait3A_79 = tpu.memref_slice %arg8[%dma_wait3A_77, %dma_wait3A_78] : memref<10240x8xf32, #tpu.memory_space<vmem_shared>> -> memref<10240x8xf32, #tpu.memory_space<vmem_shared>>
      tpu.wait_indirect_dma semaphore(%arg9 : memref<!tpu.dma_semaphore, #tpu.memory_space<semaphore_mem>>) src(%arg7 : memref<125x8xf32, #tpu.memory_space<vmem>>) dst(%dma_wait3A_79 : memref<10240x8xf32, #tpu.memory_space<vmem_shared>>)
    }
    %scan3A_5 = arith.constant 20 : i32
    %barrier3A_6 = arith.constant 0 : index
    tpu.barrier barrier_id(%barrier3A_6)
    %eq3A = arith.constant 0 : i32
    %eq3A_7 = arith.cmpi eq, %arg0, %eq3A : i32
    %convert_element_type3A = arith.extui %eq3A_7 : i1 to i32
    %cond3A = arith.constant 0 : i32
    %cond3A_8 = arith.cmpi ne, %convert_element_type3A, %cond3A : i32
    scf.if %cond3A_8 {
      "tpu.region"() ({
        %run_scoped3A = tpu.sem_alloc : memref<!tpu.dma_semaphore, #tpu.memory_space<semaphore_mem>>
        %dma_start3A = arith.constant 0 : i32
        %dma_start3A_14 = tpu.memref_slice %arg5[%mul3A_0, %dma_start3A] : memref<10240x128xf32, #tpu.memory_space<hbm>> -> memref<640x8xf32, #tpu.memory_space<hbm>>
        %dma_start3A_15 = arith.constant 0 : i32
        %dma_start3A_16 = tpu.memref_slice %arg8[%mul3A_0, %dma_start3A_15] : memref<10240x8xf32, #tpu.memory_space<vmem_shared>> -> memref<640x8xf32, #tpu.memory_space<vmem_shared>>
        tpu.enqueue_dma source(%dma_start3A_16 : memref<640x8xf32, #tpu.memory_space<vmem_shared>>) target(%dma_start3A_14 : memref<640x8xf32, #tpu.memory_space<hbm>>) target_semaphore(%run_scoped3A : memref<!tpu.dma_semaphore, #tpu.memory_space<semaphore_mem>>)
        %dma_wait3A = arith.constant 0 : i32
        %dma_wait3A_17 = tpu.memref_slice %arg5[%mul3A_0, %dma_wait3A] : memref<10240x128xf32, #tpu.memory_space<hbm>> -> memref<640x8xf32, #tpu.memory_space<hbm>>
        %dma_wait3A_18 = arith.constant 0 : i32
        %dma_wait3A_19 = tpu.memref_slice %arg8[%mul3A_0, %dma_wait3A_18] : memref<10240x8xf32, #tpu.memory_space<vmem_shared>> -> memref<640x8xf32, #tpu.memory_space<vmem_shared>>
        tpu.wait_dma2 semaphore(%run_scoped3A : memref<!tpu.dma_semaphore, #tpu.memory_space<semaphore_mem>>) src(%dma_wait3A_19 : memref<640x8xf32, #tpu.memory_space<vmem_shared>>) dst(%dma_wait3A_17 : memref<640x8xf32, #tpu.memory_space<hbm>>)
        tpu.yield
      }) : () -> ()
    } else {
    }
    %eq3A_9 = arith.constant 1 : i32
    %eq3A_10 = arith.cmpi eq, %arg0, %eq3A_9 : i32
    %convert_element_type3A_11 = arith.extui %eq3A_10 : i1 to i32
    %cond3A_12 = arith.constant 0 : i32
    %cond3A_13 = arith.cmpi ne, %convert_element_type3A_11, %cond3A_12 : i32
    scf.if %cond3A_13 {
      "tpu.region"() ({
        %run_scoped3A = tpu.sem_alloc : memref<!tpu.dma_semaphore, #tpu.memory_space<semaphore_mem>>
        %dma_start3A = arith.constant 8 : i32
        %dma_start3A_14 = tpu.memref_slice %arg5[%mul3A_0, %dma_start3A] : memref<10240x128xf32, #tpu.memory_space<hbm>> -> memref<640x8xf32, #tpu.memory_space<hbm>>
        %dma_start3A_15 = arith.constant 0 : i32
        %dma_start3A_16 = tpu.memref_slice %arg8[%mul3A_0, %dma_start3A_15] : memref<10240x8xf32, #tpu.memory_space<vmem_shared>> -> memref<640x8xf32, #tpu.memory_space<vmem_shared>>
        tpu.enqueue_dma source(%dma_start3A_16 : memref<640x8xf32, #tpu.memory_space<vmem_shared>>) target(%dma_start3A_14 : memref<640x8xf32, #tpu.memory_space<hbm>>) target_semaphore(%run_scoped3A : memref<!tpu.dma_semaphore, #tpu.memory_space<semaphore_mem>>)
        %dma_wait3A = arith.constant 8 : i32
        %dma_wait3A_17 = tpu.memref_slice %arg5[%mul3A_0, %dma_wait3A] : memref<10240x128xf32, #tpu.memory_space<hbm>> -> memref<640x8xf32, #tpu.memory_space<hbm>>
        %dma_wait3A_18 = arith.constant 0 : i32
        %dma_wait3A_19 = tpu.memref_slice %arg8[%mul3A_0, %dma_wait3A_18] : memref<10240x8xf32, #tpu.memory_space<vmem_shared>> -> memref<640x8xf32, #tpu.memory_space<vmem_shared>>
        tpu.wait_dma2 semaphore(%run_scoped3A : memref<!tpu.dma_semaphore, #tpu.memory_space<semaphore_mem>>) src(%dma_wait3A_19 : memref<640x8xf32, #tpu.memory_space<vmem_shared>>) dst(%dma_wait3A_17 : memref<640x8xf32, #tpu.memory_space<hbm>>)
        tpu.yield
      }) : () -> ()
    } else {
    }
    return
  }
}

</mosaic_0001>

<sc_bundles>
// kernel: _sc_degree.3.cloned.1.call-start
scs
__scs_entry_jumppad:
0x0: {  	(pc) =	sbr.rel $0x88, $3  }
0x1: {  	(tag) =	ssettag $0x0;
	lr =	simm.s32 $0x1  }
0x2: {  	[smem:$0x3F9E] =	sst lr;
	_ =	strace $0xD0000000  }
0x3: {  	_ = 	snop  }
0x4: {  	_ = 	snop  }
0x5: {  	_ = 	snop  }
0x6: {  	_ = 	snop  }
0x7: {  	_ = 	snop  }
__scs_overlays_trampoline_lowered:
0x8: {  	[smem:$0x3FAD] =	sst s0  }
0x9: {  	[smem:$0x3FAE] =	sst s1  }
0xa: {  	[smem:$0x3FAF] =	sst s2  }
0xb: {  	[smem:$0x3FB0] =	sst s3  }
0xc: {  	[smem:$0x3FB1] =	sst s4  }
0xd: {  	[smem:$0x3FB2] =	sst s5  }
0xe: {  	[smem:$0x3FB3] =	sst s6  }
0xf: {  	[smem:$0x3FB4] =	sst s7  }
0x10: {  	[smem:$0x3FB5] =	sst s8  }
0x11: {  	[smem:$0x3FB6] =	sst s9;
	s0 =	simm.s32 @!p0 $0x0  }
0x12: {  	s1 =	sld [smem:$0x3F9C];
	s0 =	simm.s32 @p0 $0x1  }
0x13: {  	[smem:$0x3FB7] =	sst s0;
	s0 =	simm.s32 @!p1 $0x0  }
0x14: {  	s2 =	sld [smem:$0x3F9B];
	s0 =	simm.s32 @p1 $0x1  }
0x15: {  	[smem:$0x3FB8] =	sst s0;
	s0 =	simm.s32 @!p2 $0x0  }
0x16: {  	s3 =	sld [smem:$0x3FDB];
	s0 =	simm.s32 @p2 $0x1  }
0x17: {  	s4 =	simm.s32 $0x1BF5;
	[smem:$0x3FBA] =	sst s0  }
0x18: {  	s0 =	sld [smem:$0x3F9D];
	_ =	swait.ge [sflag:s4], $0x0  }
0x19: {  	s7 =	sld [smem:$0x3F9E]  }
0x1a: {  	s8 =	sadd.s32 $0xFFFFE003, lr  }
0x1b: {  	s9 =	sadd.s32 $0xFFFFFEF7, lr;
	s5 =	simm.s32 $0xFFFFFFFF;
	p2 =	slt.u32 s8, $0xFFFFF086  }
0x1c: {  	p1 =	slt.u32 s9, $0xF7A;
	s5 =	simm.s32 @!p2 $0x0  }
0x1d: {  	s5 =	simm.s32 @p1 $0x1;
	p0 =	seq.s32 s7, s2  }
0x1e: {  	s7 =	smul.u32 @!p0 $0xF7A, s2;
	p2 =	seq.s32 @!p0 s5, $0x0  }
0x1f: {  	s9 =	smul.u32 $0xF7A, s1;
	s8 =	simm.s32 @!p0 $0x1BF5;
	p2 =	por !p2, p0  }
0x20: {  	[sflag:s8] =	ssyncset.s32 @!p0 $0xFFFFF086;
	s6 =	sadd.s32 @!p0 s3, s7;
	s7 =	simm.s32 @!p0 $0x108  }
0x21: {  	s3 =	sadd.s32 s3, s9;
	s6 =	sadd.s32 @!p0 $0x88, s6;
	s7 =	simm.s32 @p2 $0x1082  }
0x22: {  	[simem:s7], [sflag:s8] =	dma.local @!p0 [hbm:s6], $0xF7A  }
0x23: {  	s9 =	sor.u32 $0xD0000000, s2;
	s6 =	simm.s32 $0x108;
	_ =	swait.ge @!p0 [sflag:s8], $0x0  }
0x24: {  	s3 =	sadd.s32 $0x88, s3;
	s6 =	simm.s32 @!p1 $0x1082;
	[sflag:s4] =	ssyncset.s32 $0xFFFFF086  }
0x25: {  	[simem:s6], [sflag:s4] =	dma.local [hbm:s3], $0xF7A  }
0x26: {  	[smem:$0x3F9E] =	sst s1;
	(tag) =	ssettag s2;
	_ =	strace s9  }
0x27: {  	s1 =	sld [smem:$0x3FAE]  }
0x28: {  	s2 =	sld [smem:$0x3FAF]  }
0x29: {  	s4 =	sld [smem:$0x3FB1]  }
0x2a: {  	p0 =	seq.s32 s5, $0x0;
	s5 =	sld [smem:$0x3FB2]  }
0x2b: {  	s6 =	sld [smem:$0x3FB3]  }
0x2c: {  	s7 =	sld [smem:$0x3FB4]  }
0x2d: {  	s3 =	simm.s32 $0x108;
	s8 =	sld [smem:$0x3FB5]  }
0x2e: {  	s3 =	simm.s32 @!p0 $0x1082;
	s9 =	sld [smem:$0x3FB6]  }
0x2f: {  	lr =	sadd.s32 s0, s3;
	s0 =	sld [smem:$0x3FAD]  }
0x30: {  	s3 =	sld [smem:$0x3FB0]  }
0x31: {  	[smem:$0x3FB9] =	sst s10  }
0x32: {  	s10 =	sld [smem:$0x3FB7];
	_ =	sdelay $0x3  }
0x33: {  	p0 =	seq.s32 s10, $0x1;
	s10 =	sld [smem:$0x3FB9];
	_ =	sdelay $0x3  }
0x34: {  	[smem:$0x3FB9] =	sst s10  }
0x35: {  	s10 =	sld [smem:$0x3FB8];
	_ =	sdelay $0x3  }
0x36: {  	p1 =	seq.s32 s10, $0x1;
	s10 =	sld [smem:$0x3FB9];
	_ =	sdelay $0x3  }
0x37: {  	[smem:$0x3FB9] =	sst s10  }
0x38: {  	s10 =	sld [smem:$0x3FBA]  }
0x39: {  	_ = 	snop;
	(pc) =	sbr.ind lr, $3  }
0x3a: {  	_ = 	snop  }
0x3b: {  	_ = 	snop  }
0x3c: {  	p2 =	seq.s32 s10, $0x1;
	s10 =	sld [smem:$0x3FB9]  }
0x3d: {  	_ =	shalt  }
0x3e: {  	_ =	shalt  }
0x3f: {  	_ =	shalt  }
0x40: {  	_ =	shalt  }
0x41: {  	_ =	shalt  }
0x42: {  	_ =	shalt  }
0x43: {  	_ =	shalt  }
0x44: {  	_ =	shalt  }
0x45: {  	_ =	shalt  }
0x46: {  	_ =	shalt  }
0x47: {  	_ =	shalt  }
0x48: {  	_ =	shalt  }
0x49: {  	_ =	shalt  }
0x4a: {  	_ =	shalt  }
0x4b: {  	_ =	shalt  }
0x4c: {  	_ =	shalt  }
0x4d: {  	_ =	shalt  }
0x4e: {  	_ =	shalt  }
0x4f: {  	_ =	shalt  }
0x50: {  	_ =	shalt  }
0x51: {  	_ =	shalt  }
0x52: {  	_ =	shalt  }
0x53: {  	_ =	shalt  }
0x54: {  	_ =	shalt  }
0x55: {  	_ =	shalt  }
0x56: {  	_ =	shalt  }
0x57: {  	_ =	shalt  }
0x58: {  	_ =	shalt  }
0x59: {  	_ =	shalt  }
0x5a: {  	_ =	shalt  }
0x5b: {  	_ =	shalt  }
0x5c: {  	_ =	shalt  }
0x5d: {  	_ =	shalt  }
0x5e: {  	_ =	shalt  }
0x5f: {  	_ =	shalt  }
0x60: {  	_ =	shalt  }
0x61: {  	_ =	shalt  }
0x62: {  	_ =	shalt  }
0x63: {  	_ =	shalt  }
0x64: {  	_ =	shalt  }
0x65: {  	_ =	shalt  }
0x66: {  	_ =	shalt  }
0x67: {  	_ =	shalt  }
0x68: {  	_ =	shalt  }
0x69: {  	_ =	shalt  }
0x6a: {  	_ =	shalt  }
0x6b: {  	_ =	shalt  }
0x6c: {  	_ =	shalt  }
0x6d: {  	_ =	shalt  }
0x6e: {  	_ =	shalt  }
0x6f: {  	_ =	shalt  }
0x70: {  	_ =	shalt  }
0x71: {  	_ =	shalt  }
0x72: {  	_ =	shalt  }
0x73: {  	_ =	shalt  }
0x74: {  	_ =	shalt  }
0x75: {  	_ =	shalt  }
0x76: {  	_ =	shalt  }
0x77: {  	_ =	shalt  }
0x78: {  	_ =	shalt  }
0x79: {  	_ =	shalt  }
0x7a: {  	_ =	shalt  }
0x7b: {  	_ =	shalt  }
0x7c: {  	_ =	shalt  }
0x7d: {  	_ =	shalt  }
0x7e: {  	_ =	shalt  }
0x7f: {  	_ =	shalt  }
0x80: {  	_ =	shalt  }
0x81: {  	_ =	shalt  }
0x82: {  	_ =	shalt  }
0x83: {  	_ =	shalt  }
0x84: {  	_ =	shalt  }
0x85: {  	_ =	shalt  }
0x86: {  	_ =	shalt  }
0x87: {  	_ =	shalt  }
.Lfunc_end0:
.L_simem_size_0:
called_computation_lowered:
.L_overlay_start_0:
0x88: {  	s2 =	sld [smem:$0x3FD9]  }
0x89: {  	s3 =	sld [smem:$0x3FFE];
	_ =	sdelay $0x1  }
0x8a: {  	s1 =	srdreg.scid  }
0x8b: {  	s0 =	sand.u32 $0x1, s1  }
0x8c: {  	s17 =	sshll.u32 s0, $0xA;
	s2 =	sadd.s32 s3, s2  }
0x8d: {  	s2 =	sadd.s32 s2, s17  }
0x8e: {  	[smem:$0x3FC5] =	sst s2  }
0x8f: {  	_ = 	snop  }
0x90: {  	s2 =	sld [smem:$0x3FD0];
	(tm) =	ssettm $0x1  }
0x91: {  	s18 =	sld [smem:$0x3FFB];
	_ =	sdelay $0x3  }
0x92: {  	_ =	strace s18  }
0x93: {  	s3 =	sld [smem:$0x3FFC];
	_ =	sdelay $0x3  }
0x94: {  	_ =	strace s3  }
0x95: {  	s3 =	sld [smem:$0x3FFD];
	_ =	sdelay $0x3  }
0x96: {  	_ =	strace s3  }
0x97: {  	_ =	strace $0x8FFFFFFF  }
0x98: {  	s19 =	sld [smem:$0x3FDB];
	_ =	sdelay $0x1  }
0x99: {  	s4 =	simm.s32 $_scs_section_size  }
0x9a: {  	s5 =	simm.s32 $_size__tile_overlayer_lowered;
	s6 =	simm.s32 $_tile_overlayer_lowered  }
0x9b: {  	s22 =	simm.s32 $0x1BFF;
	s21 =	sshll.u32 s6, $0x1;
	s3 =	sadd.s32 s4, s19  }
0x9c: {  	s7 =	simm.s32 $0x0;
	s20 =	sshll.u32 s5, $0x1;
	s5 =	sadd.s32 s21, s3  }
0x9d: {  	[timem:s7], [sflag:s22] =	dma.local [hbm:s5], s20  }
0x9e: {  	_ =	swait.ge [sflag:s22], s20  }
0x9f: {  	s4 =	ssub.s32 $0x0, s20;
	[sflag:s22] =	ssyncset.done $0x0  }
0xa0: {  	[sflag:s22] =	ssyncadd.s32 s4;
	_ =	sdelay $0x1  }
0xa1: {  	s23 =	simm.s32 $0x1B8B  }
0xa2: {  	_ =	swait.ge [sflag:s23], $0x1  }
0xa3: {  	[sflag:s23] =	ssyncset.done $0x0  }
0xa4: {  	s25 =	simm.s32 $0x1B8E;
	s24 =	sld [smem:$0x3FFE];
	[sflag:s23] =	ssyncadd.s32 $0xFFFFFFFF  }
0xa5: {  	s26 =	simm.s32 $execute0_lowered;
	[smem:$0x3FD2] =	sst s25  }
0xa6: {  	s5 =	sshll.u32 s26, $0x1;
	_ =	strace $0x80000046;
	[dreg:$0x1] =	wrdreg $0xFFFFFFFF  }
0xa7: {  	s28 =	simm.s32 $_size_execute0_lowered;
	s3 =	sadd.s32 s3, s5;
	[dreg:$0x0] =	wrdreg $0x0  }
0xa8: {  	s5 =	sshll.u32 s28, $0x1;
	[dreg:$0x2] =	wrdreg s3  }
0xa9: {  	[dreg:$0x3] =	wrdreg s5  }
0xaa: {  	[dreg:$0x4] =	wrdreg $0xC0  }
0xab: {  	_ =	task [dreg:s7], $0x5FFFF  }
0xac: {  	[dreg:$0x1] =	wrdreg $0xFFFFFFFF  }
0xad: {  	[dreg:$0x0] =	wrdreg $0x60  }
0xae: {  	[dreg:$0x2] =	wrdreg s24  }
0xaf: {  	[dreg:$0x3] =	wrdreg s2  }
0xb0: {  	[dreg:$0x4] =	wrdreg $0x2BE80  }
0xb1: {  	[dreg:$0x5] =	wrdreg $0x9  }
0xb2: {  	_ =	task.clear_ibuf [dreg:s7], $0x6FFFF;
	_ =	strace $0x90000046  }
0xb3: {  	s29 =	simm.s32 $0x9;
	_ =	strace $0x80000048  }
0xb4: {  	_ =	swait.ge [sflag:s29], $0x1  }
0xb5: {  	[sflag:s29] =	ssyncadd.s32 $0xFFFFFFFF  }
0xb6: {  	_ =	strace $0x90000048  }
0xb7: {  	_ =	sfence  }
0xb8: {  	s30 =	sld [smem:$0x0];
	_ =	sdelay $0x2  }
0xb9: {  	s31 =	sshll.u32 s1, $0xD;
	s1 =	sshrl.u32 s1, $0x2  }
0xba: {  	s3 =	sand.u32 $0x4000, s31;
	s1 =	sadd.s32 s1, s30  }
0xbb: {  	s0 =	sor.u32 s3, s0;
	s1 =	sshll.u32 s1, $0x11  }
0xbc: {  	s0 =	sor.u32 s1, s0  }
0xbd: {  	s0 =	sadd.s32 $0x8F2B, s0  }
0xbe: {  	[sflag:s0] =	ssyncadd.remote.s32 $0x1  }
0xbf: {  	_ =	sfence.sel $0xFFFF  }
0xc0: {  	[dreg:$0x0] =	wrdreg $0xFFFFFFFF;
	(pc) =	sbr.abs _section_cstart, $3  }
0xc1: {  	[dreg:$0x1] =	wrdreg $0xFFFFFFFF  }
0xc2: {  	_ =	task.clear_ibuf [dreg:s7], $0x2FFFF;
	_ =	strace $0x9FFFFFFF  }
0xc3: {  	(tm) =	ssettm $0x7FFFFFFF  }
tec
execute0_lowered:
.L_overlay_start_1:
0x0: {  	(tag) =	ssettag $0x1  }
0x1: {  	s5 =	rddreg [dreg:$0x0]  }
0x2: {  	s6 =	rddreg [dreg:$0x1]  }
0x3: {  	s0 =	srdreg.scid;
	s2 =	rddreg [dreg:$0x2]  }
0x4: {  	s1 =	rddreg [dreg:$0x3];
	s3 =	simm.s32 $0x0;
	s7 =	sand.u32 $0x1, s0  }
0x5: {  	s14 =	simm.s32 $0x1;
	s0 =	stileid.u32;
	s4 =	smul.u32 $0x28000, s7  }
0x6: {  	s15 =	simm.s32 $0x10;
	[smem:$0x7FF] =	sst s3;
	s8 =	smul.u32 $0x2800, s0  }
0x7: {  	s16 =	simm.s32 $0x0;
	s9 =	smul.u32 $0x1400, s0;
	_ =	strace $0x80000047  }
0x8: {  	s10 =	ssub.s32 $0x2, s7;
	s30 =	sadd.s32 s7, s6;
	s31 =	sshll.u32 s0, $0x6  }
0x9: {  	s13 =	sshrl.u32 s10, $0x1;
	s4 =	sadd.s32 s8, s4;
	s12 =	sshrl.u32 s9, $0x3  }
0xa: {  	s10 =	ssub.s32 s10, s13;
	s29 =	sadd.s32 s9, s2;
	s8 =	sadd.s32 s8, s30  }
0xb: {  	s9 =	simm.s32 $0x2;
	s13 =	simm.s32 $0x7D;
	s4 =	sshrl.u32 s4, $0x3  }
0xc: {  	s12 =	sadd.s32 s12, s5;
	s7 =	smax.u32 s10, $0x1;
	s10 =	simm.s32 $0x2800  }
0xd: {  	s11 =	sadd.s32 s4, s5;
	s4 =	sadd.s32 $0x600, s5;
	s6 =	sadd.s32 $0x800, s12  }
0xe: {  	s12 =	sshrl.u32 s29, $0x3;
	s5 =	sadd.s32 $0x3000, s11;
	s11 =	sor.u32 $0x1C02, s31  }
.LBB2_1:
0xf: {  	[tilespmem:s3], [sflag:$0x2] =	stream.linear.gather [hbm4b:s5+s3], $0x2800, $0x38;
	[tilespmem:$0x3FE8] =	vst v63  }
0x10: {  	_ =	swait.ge [sflag:s9], $0x2800  }
0x11: {  	[sflag:s9] =	ssyncset.done $0x0  }
0x12: {  	[sflag:s9] =	ssyncadd.s32 $0xFFFFD800  }
0x13: {  	[tilespmem:s10], [sflag:$0x2] =	stream.linear.gather [hbm4b:s4+s3], $0x3E8, $0x38;
	[tilespmem:$0x3FE8] =	vst v63  }
0x14: {  	_ =	swait.ge [sflag:s9], $0x3E8  }
0x15: {  	[sflag:s9] =	ssyncset.done $0x0  }
0x16: {  	[sflag:s9] =	ssyncadd.s32 $0xFFFFFC18  }
0x17: {  	[spmem:s12], [sflag:s11] =	dma.local [hbm:s6], $0x280  }
0x18: {  	_ =	swait.ge [sflag:s9], $0x280  }
0x19: {  	[sflag:s9] =	ssyncset.done $0x0  }
0x1a: {  	[sflag:s9] =	ssyncadd.s32 $0xFFFFFD80  }
0x1b: {  	s17 =	simm.s32 $0x0;
	[bflag:$0x0] =	sbarrier.arrive $0xFFFF  }
0x1c: {  	[spmem:s2] =	stream.indirect.scatter.add.f32 [tilespmem:s10], [sflag:$0x1], $0x8, s17, s13, $0xb8;
	[tilespmem:$0x3FE8] =	vst v63  }
0x1d: {  	s29 =	simm.s32 $0x80  }
0x1e: {  	[spmem:s2] =	stream.indirect.scatter.add.f32 [tilespmem:s10], [sflag:$0x1], $0x8, s29, s13, $0xb8;
	[tilespmem:$0x3FE8] =	vst v63  }
0x1f: {  	s30 =	simm.s32 $0x100  }
0x20: {  	[spmem:s2] =	stream.indirect.scatter.add.f32 [tilespmem:s10], [sflag:$0x1], $0x8, s30, s13, $0xb8;
	[tilespmem:$0x3FE8] =	vst v63  }
0x21: {  	s31 =	simm.s32 $0x180  }
0x22: {  	[spmem:s2] =	stream.indirect.scatter.add.f32 [tilespmem:s10], [sflag:$0x1], $0x8, s31, s13, $0xb8;
	[tilespmem:$0x3FE8] =	vst v63  }
0x23: {  	_ =	swait.ge [sflag:s14], $0x3E8  }
0x24: {  	[sflag:s14] =	ssyncset.done $0x0  }
0x25: {  	[sflag:s14] =	ssyncadd.s32 $0xFFFFFC18  }
0x26: {  	_ =	swait.ge [sflag:s14], $0x3E8  }
0x27: {  	[sflag:s14] =	ssyncset.done $0x0  }
0x28: {  	[sflag:s14] =	ssyncadd.s32 $0xFFFFFC18  }
0x29: {  	_ =	swait.ge [sflag:s14], $0x3E8  }
0x2a: {  	[sflag:s14] =	ssyncset.done $0x0  }
0x2b: {  	[sflag:s14] =	ssyncadd.s32 $0xFFFFFC18  }
0x2c: {  	_ =	swait.ge [sflag:s14], $0x3E8  }
0x2d: {  	s18 =	simm.s32 $0x1000;
	s17 =	simm.s32 $0x800;
	[sflag:s14] =	ssyncset.done $0x0  }
.LBB2_2:
0x2e: {  	s19 =	sshra.s32 s17, $0x2  }
0x2f: {  	[sflag:s14] =	ssyncadd.s32 $0xFFFFFC18;
	s17 =	smov.u32 s18;
	s20 =	sadd.s32 $0x800, s18  }
0x30: {  	[spmem:s2] =	stream.indirect.scatter.add.f32 [tilespmem:s10], [sflag:$0x1], $0x8, s19, s13, $0xb8;
	[tilespmem:$0x3FE8] =	vst v63  }
0x31: {  	p0 =	sne.s32 s18, $0x9800;
	s18 =	sadd.s32 $0x80, s19  }
0x32: {  	[spmem:s2] =	stream.indirect.scatter.add.f32 [tilespmem:s10], [sflag:$0x1], $0x8, s18, s13, $0xb8;
	[tilespmem:$0x3FE8] =	vst v63  }
0x33: {  	s18 =	sadd.s32 $0x100, s19  }
0x34: {  	[spmem:s2] =	stream.indirect.scatter.add.f32 [tilespmem:s10], [sflag:$0x1], $0x8, s18, s13, $0xb8;
	[tilespmem:$0x3FE8] =	vst v63  }
0x35: {  	s18 =	sadd.s32 $0x180, s19  }
0x36: {  	[spmem:s2] =	stream.indirect.scatter.add.f32 [tilespmem:s10], [sflag:$0x1], $0x8, s18, s13, $0xb8;
	[tilespmem:$0x3FE8] =	vst v63  }
0x37: {  	_ =	swait.ge [sflag:s14], $0x3E8  }
0x38: {  	[sflag:s14] =	ssyncset.done $0x0  }
0x39: {  	[sflag:s14] =	ssyncadd.s32 $0xFFFFFC18  }
0x3a: {  	_ =	swait.ge [sflag:s14], $0x3E8  }
0x3b: {  	[sflag:s14] =	ssyncset.done $0x0  }
0x3c: {  	[sflag:s14] =	ssyncadd.s32 $0xFFFFFC18  }
.Ltmp0:
0x3d: {  	_ =	swait.ge [sflag:s14], $0x3E8;
	(pc) =	sbr.rel @p0 .LBB2_2-.Ltmp0, $4  }
0x3e: {  	[sflag:s14] =	ssyncset.done $0x0  }
0x3f: {  	[sflag:s14] =	ssyncadd.s32 $0xFFFFFC18  }
0x40: {  	_ =	swait.ge [sflag:s14], $0x3E8  }
0x41: {  	s18 =	smov.u32 s20;
	[sflag:s14] =	ssyncset.done $0x0  }
0x42: {  	s17 =	sshra.s32 s17, $0x2;
	[sflag:s14] =	ssyncadd.s32 $0xFFFFFC18  }
0x43: {  	[spmem:s2] =	stream.indirect.scatter.add.f32 [tilespmem:s10], [sflag:$0x1], $0x8, s17, s13, $0xb8;
	[tilespmem:$0x3FE8] =	vst v63  }
0x44: {  	s18 =	sadd.s32 $0x80, s17  }
0x45: {  	[spmem:s2] =	stream.indirect.scatter.add.f32 [tilespmem:s10], [sflag:$0x1], $0x8, s18, s13, $0xb8;
	[tilespmem:$0x3FE8] =	vst v63  }
0x46: {  	s31 =	sadd.s32 $0x100, s17  }
0x47: {  	[spmem:s2] =	stream.indirect.scatter.add.f32 [tilespmem:s10], [sflag:$0x1], $0x8, s31, s13, $0xb8;
	[tilespmem:$0x3FE8] =	vst v63  }
0x48: {  	s17 =	sadd.s32 $0x180, s17  }
0x49: {  	[spmem:s2] =	stream.indirect.scatter.add.f32 [tilespmem:s10], [sflag:$0x1], $0x8, s17, s13, $0xb8;
	[tilespmem:$0x3FE8] =	vst v63  }
0x4a: {  	_ =	swait.ge [sflag:s14], $0x3E8  }
0x4b: {  	[sflag:s14] =	ssyncset.done $0x0  }
0x4c: {  	[sflag:s14] =	ssyncadd.s32 $0xFFFFFC18  }
0x4d: {  	_ =	swait.ge [sflag:s14], $0x3E8  }
0x4e: {  	[sflag:s14] =	ssyncset.done $0x0  }
0x4f: {  	[sflag:s14] =	ssyncadd.s32 $0xFFFFFC18  }
0x50: {  	_ =	swait.ge [sflag:s14], $0x3E8  }
0x51: {  	[sflag:s14] =	ssyncset.done $0x0  }
0x52: {  	[sflag:s14] =	ssyncadd.s32 $0xFFFFFC18  }
0x53: {  	_ =	swait.ge [sflag:s14], $0x3E8  }
0x54: {  	s16 =	sadd.s32 $0x1, s16;
	[sflag:s14] =	ssyncset.done $0x0  }
0x55: {  	p0 =	sne.s32 s16, s7;
	[sflag:s14] =	ssyncadd.s32 $0xFFFFFC18  }
.Ltmp1:
0x56: {  	[bflag:$0x0] =	sbarrier.arrive $0xFFFF;
	(pc) =	sbr.rel @p0 .LBB2_1-.Ltmp1, $4  }
0x57: {  	[hbm:s8@s15], [sflag:s11] =	dma.strided [spmem:s12@s14], $0x280, s14, $0x1   }
0x58: {  	_ =	swait.ge [sflag:s9], $0x280  }
0x59: {  	[sflag:s9] =	ssyncset.done $0x0  }
0x5a: {  	[sflag:s9] =	ssyncadd.s32 $0xFFFFFD80  }
0x5b: {  	_ =	sfence.sel $0x180000  }
0x5c: {  	[bflag:$0x0] =	sbarrier.arrive $0xFFFF  }
0x5d: {  	p0 =	sne.s32 s0, $0x0;
	_ =	strace $0x90000047  }
0x5e: {  	s0 =	sadd.s32 @!p0 $0x100000, s1;
	[bflag:$0x2] =	sbarrier.arrive $0xFFFF  }
0x5f: {  	[sflag:s0] =	ssyncadd.tile.s32 @!p0 $0x1;
	_ =	shalt  }
.Lfunc_end2:
_tile_overlayer_lowered:
.L_overlay_start_2:
0x60: {  	(tag) =	ssettag $0x2  }
0x61: {  	s0 =	rddreg [dreg:$0x0];
	s2 =	stileid.u32  }
0x62: {  	s1 =	rddreg [dreg:$0x1];
	p0 =	sne.s32 s2, $0x0  }
0x63: {  	s3 =	rddreg [dreg:$0x2];
	[bflag:$0x3] =	sbarrier.arrive $0xFFFF;
	s2 =	simm.s32 @!p0 $0x1C02  }
0x64: {  	[timem:s3], [sflag:s2] =	dma.local @!p0 [hbm:s0], s1  }
0x65: {  	s0 =	simm.s32 @!p0 $0x2  }
0x66: {  	_ =	swait.ge @!p0 [sflag:s0], s1  }
0x67: {  	s1 =	ssub.s32 @!p0 $0x0, s1;
	[sflag:s0] =	ssyncset.done @!p0 $0x0  }
0x68: {  	[sflag:s0] =	ssyncadd.s32 @!p0 s1  }
0x69: {  	[bflag:$0x3] =	sbarrier.arrive $0xFFFF  }
0x6a: {  	_ =	shalt  }

</sc_bundles>
